<compile_context>
chip_gen: v7x
topology: tpu7x:2x2x1
jax: 0.10.2.dev20260603
libtpu: 0.0.44.dev20260713+nightly
codegen_flags: <defaults>
</compile_context>

<pallas_src>
import functools

import jax
import jax.numpy as jnp
from jax import lax
from jax.experimental import pallas as pl
from jax.experimental.pallas import tpu as pltpu
from jax.experimental.pallas import tpu_sc as plsc

_D = 64
_B = 16384
_NC = 2
_NS = 16
_NW = _NC * _NS
_BPW = _B // _NW
_L = 16


def _sc_body(idx_hbm, table_hbm, w_hbm, out_hbm, idx_v, rows_v, w_v, out_v,
             sem):
    wid = lax.axis_index("s") * _NC + lax.axis_index("c")
    base = wid * _BPW

    pltpu.sync_copy(idx_hbm.at[pl.ds(base, _BPW)], idx_v)
    pltpu.sync_copy(w_hbm, w_v)

    def issue(j, carry):
        ivec = plsc.load_gather(idx_v, [jnp.full((_L,), j)])
        i = jnp.max(ivec)
        pltpu.async_copy(table_hbm.at[i], rows_v.at[j], sem)
        return carry

    lax.fori_loop(0, _BPW, issue, 0)
    pltpu.make_async_copy(table_hbm.at[pl.ds(0, _BPW)], rows_v, sem).wait()

    iota = lax.iota(jnp.int32, _L)
    wqs = [w_v[pl.ds(k * _L, _L)] for k in range(_D // _L)]
    tail = iota == (_L - 1)

    def body(j, carry):
        acc = jnp.zeros((_L,), jnp.float32)
        for k in range(_D // _L):
            acc = acc + rows_v[j, pl.ds(k * _L, _L)] * wqs[k]
        tot = plsc.cumsum(acc)
        plsc.store_scatter(out_v, [jnp.full((_L,), j)], tot, mask=tail)
        return carry

    lax.fori_loop(0, _BPW, body, 0)

    pltpu.sync_copy(out_v, out_hbm.at[pl.ds(base, _BPW)])


_gather_reduce = functools.partial(
    pl.kernel,
    mesh=plsc.VectorSubcoreMesh(core_axis_name="c", subcore_axis_name="s"),
    out_type=jax.ShapeDtypeStruct((_B,), jnp.float32),
    compiler_params=pltpu.CompilerParams(needs_layout_passes=False),
    scratch_types=[
        pltpu.VMEM((_BPW,), jnp.int32),
        pltpu.VMEM((_BPW, _D), jnp.float32),
        pltpu.VMEM((2 * _D,), jnp.float32),
        pltpu.VMEM((_BPW,), jnp.float32),
        pltpu.SemaphoreType.DMA,
    ],
)(_sc_body)


@jax.jit
def kernel(indices, table, W):
    w = jnp.pad(W.reshape(_D), (0, _D))
    out = _gather_reduce(indices, table, w)
    return out.reshape(_B, 1)

# --- scband reference (transcript-rebuilt; emitter-appended) ---
"""Pipeline reference for scband-my-model-87522843561089 (READ-ONLY COPY).

The authoritative reference and input builder live on the scoring server;
editing this copy changes nothing except your own understanding.
"""

import jax, jax.numpy as jnp
import numpy as np

VOCAB = 1000000
EMBED_DIM = 64
BATCH = 16384

def setup_inputs(seed: int = 0) -> dict:
    key = jax.random.key(seed)
    k1, k2 = jax.random.split(key)
    # categorical feature already vocab-encoded as integer ids
    indices = jax.random.randint(k1, (BATCH,), 0, VOCAB, dtype=jnp.int32)
    # embedding table (learned parameter of the embedding_column)
    table = jax.random.normal(k2, (VOCAB, EMBED_DIM), dtype=jnp.float32)
    # frozen dense kernel, constant-initialized to 1 (units=1, no bias)
    W = jnp.ones((EMBED_DIM, 1), dtype=jnp.float32)
    return {"indices": indices, "table": table, "W": W}

def reference(indices, table, W):
    # DenseFeatures with an embedding_column == row gather from the table
    emb = jnp.take(table, indices, axis=0)          # [BATCH, EMBED_DIM]
    # Dense(units=1, use_bias=False, kernel=const 1)
    logits = emb @ W                                 # [BATCH, 1]
    return logits

if __name__ == "__main__":
    import jax
    _d = setup_inputs()
    print(jax.jit(kernel)(*tuple(_d.values())))

</pallas_src>

<mosaic_0001>
#map = affine_map<(d0, d1) -> (0)>
#map1 = affine_map<(d0, d1) -> (0, 0)>
module attributes {stable_mosaic.version = 14 : i64} {
  func.func @_sc_body(%arg0: i32, %arg1: i32, %arg2: memref<16384xi32, #tpu.memory_space<hbm>>, %arg3: memref<1000000x64xf32, #tpu.memory_space<hbm>>, %arg4: memref<128xf32, #tpu.memory_space<hbm>>, %arg5: memref<16384xf32, #tpu.memory_space<hbm>>, %arg6: memref<512xi32, #tpu.memory_space<vmem>>, %arg7: memref<512x64xf32, #tpu.memory_space<vmem>>, %arg8: memref<128xf32, #tpu.memory_space<vmem>>, %arg9: memref<512xf32, #tpu.memory_space<vmem>>, %arg10: memref<!tpu.dma_semaphore, #tpu.memory_space<semaphore_mem>>) attributes {dimension_semantics = [#tpu.dimension_semantics<core_parallel>, #tpu.dimension_semantics<subcore_parallel>], iteration_bounds = array<i64: 2, 16>, scalar_prefetch = 0 : i64, scratch_operands = 5 : i64, tpu.core_type = #tpu.core_type<sc_vector_subcore>, window_params = [{transform_indices = #map}, {transform_indices = #map1}, {transform_indices = #map}, {transform_indices = #map}]} {
    %mul3A = arith.constant 2 : i32
    %mul3A_0 = arith.muli %arg1, %mul3A : i32
    %add3A = arith.addi %mul3A_0, %arg0 : i32
    %mul3A_1 = arith.constant 512 : i32
    %mul3A_2 = arith.muli %add3A, %mul3A_1 : i32
    "tpu.region"() ({
      %run_scoped3A = tpu.sem_alloc : memref<!tpu.dma_semaphore, #tpu.memory_space<semaphore_mem>>
      %dma_start3A = tpu.memref_slice %arg2[%mul3A_2] : memref<16384xi32, #tpu.memory_space<hbm>> -> memref<512xi32, #tpu.memory_space<hbm>>
      %dma_start3A_28 = tpu.memref_slice %arg2[%mul3A_2] : memref<16384xi32, #tpu.memory_space<hbm>> -> memref<512xi32, #tpu.memory_space<hbm>>
      tpu.enqueue_dma source(%dma_start3A_28 : memref<512xi32, #tpu.memory_space<hbm>>) target(%arg6 : memref<512xi32, #tpu.memory_space<vmem>>) target_semaphore(%run_scoped3A : memref<!tpu.dma_semaphore, #tpu.memory_space<semaphore_mem>>)
      %dma_wait3A_29 = tpu.memref_slice %arg2[%mul3A_2] : memref<16384xi32, #tpu.memory_space<hbm>> -> memref<512xi32, #tpu.memory_space<hbm>>
      %dma_wait3A_30 = tpu.memref_slice %arg2[%mul3A_2] : memref<16384xi32, #tpu.memory_space<hbm>> -> memref<512xi32, #tpu.memory_space<hbm>>
      tpu.wait_dma2 semaphore(%run_scoped3A : memref<!tpu.dma_semaphore, #tpu.memory_space<semaphore_mem>>) src(%dma_wait3A_30 : memref<512xi32, #tpu.memory_space<hbm>>) dst(%arg6 : memref<512xi32, #tpu.memory_space<vmem>>)
      tpu.yield
    }) : () -> ()
    "tpu.region"() ({
      %run_scoped3A = tpu.sem_alloc : memref<!tpu.dma_semaphore, #tpu.memory_space<semaphore_mem>>
      tpu.enqueue_dma source(%arg4 : memref<128xf32, #tpu.memory_space<hbm>>) target(%arg8 : memref<128xf32, #tpu.memory_space<vmem>>) target_semaphore(%run_scoped3A : memref<!tpu.dma_semaphore, #tpu.memory_space<semaphore_mem>>)
      tpu.wait_dma2 semaphore(%run_scoped3A : memref<!tpu.dma_semaphore, #tpu.memory_space<semaphore_mem>>) src(%arg4 : memref<128xf32, #tpu.memory_space<hbm>>) dst(%arg8 : memref<128xf32, #tpu.memory_space<vmem>>)
      tpu.yield
    }) : () -> ()
    %scan3A = arith.constant 0 : i32
    %scan3A_3 = arith.constant 0 : i32
    %scan3A_4 = arith.constant 512 : i32
    %scan3A_5 = arith.addi %scan3A_3, %scan3A_4 : i32
    %scan3A_6 = arith.constant 1 : i32
    scf.for %scan3A_28 = %scan3A_3 to %scan3A_5 step %scan3A_6  : i32 {
      %broadcast_in_dim3A = vector.broadcast %scan3A_28 : i32 to vector<16xi32>
      %gather3A = tpu.vector_load_idx %arg6[%broadcast_in_dim3A] : memref<512xi32, #tpu.memory_space<vmem>>[vector<16xi32>], vector<16xi32>,
      %reduce_max3A = arith.constant true
      %reduce_max3A_29 = vector.broadcast %reduce_max3A : i1 to vector<16xi1>
      %reduce_max3A_30 = arith.constant -2147483648 : i32
      %reduce_max3A_31 = vector.broadcast %reduce_max3A_30 : i32 to vector<16xi32>
      %reduce_max3A_32 = arith.xori %gather3A, %reduce_max3A_31 : vector<16xi32>
      %reduce_max3A_33 = tpu.scan <max>, %reduce_max3A_32 masked %reduce_max3A_29 : vector<16xi32>, vector<16xi1> -> vector<16xi32>
      %reduce_max3A_34 = arith.xori %reduce_max3A_33, %reduce_max3A_31 : vector<16xi32>
      %reduce_max3A_35 = vector.extract %reduce_max3A_34[15] : i32 from vector<16xi32>
      %dma_start3A = arith.constant 0 : i32
      %dma_start3A_36 = tpu.memref_slice %arg7[%scan3A_28, %dma_start3A] : memref<512x64xf32, #tpu.memory_space<vmem>> -> memref<1x64xf32, #tpu.memory_space<vmem>>
      %dma_start3A_37 = tpu.memref_squeeze %dma_start3A_36 : memref<1x64xf32, #tpu.memory_space<vmem>> -> memref<64xf32, #tpu.memory_space<vmem>>
      %dma_start3A_38 = arith.constant 0 : i32
      %dma_start3A_39 = tpu.memref_slice %arg3[%reduce_max3A_35, %dma_start3A_38] : memref<1000000x64xf32, #tpu.memory_space<hbm>> -> memref<1x64xf32, #tpu.memory_space<hbm>>
      %dma_start3A_40 = tpu.memref_squeeze %dma_start3A_39 : memref<1x64xf32, #tpu.memory_space<hbm>> -> memref<64xf32, #tpu.memory_space<hbm>>
      %dma_start3A_41 = arith.constant 0 : i32
      %dma_start3A_42 = tpu.memref_slice %arg7[%scan3A_28, %dma_start3A_41] : memref<512x64xf32, #tpu.memory_space<vmem>> -> memref<1x64xf32, #tpu.memory_space<vmem>>
      %dma_start3A_43 = tpu.memref_squeeze %dma_start3A_42 : memref<1x64xf32, #tpu.memory_space<vmem>> -> memref<64xf32, #tpu.memory_space<vmem>>
      %dma_start3A_44 = arith.constant 0 : i32
      %dma_start3A_45 = tpu.memref_slice %arg3[%reduce_max3A_35, %dma_start3A_44] : memref<1000000x64xf32, #tpu.memory_space<hbm>> -> memref<1x64xf32, #tpu.memory_space<hbm>>
      %dma_start3A_46 = tpu.memref_squeeze %dma_start3A_45 : memref<1x64xf32, #tpu.memory_space<hbm>> -> memref<64xf32, #tpu.memory_space<hbm>>
      tpu.enqueue_dma source(%dma_start3A_46 : memref<64xf32, #tpu.memory_space<hbm>>) target(%dma_start3A_43 : memref<64xf32, #tpu.memory_space<vmem>>) target_semaphore(%arg10 : memref<!tpu.dma_semaphore, #tpu.memory_space<semaphore_mem>>)
    }
    %scan3A_7 = arith.constant 512 : i32
    %dma_wait3A = arith.constant 0 : i32
    %dma_wait3A_8 = arith.constant 0 : i32
    %dma_wait3A_9 = tpu.memref_slice %arg3[%dma_wait3A, %dma_wait3A_8] : memref<1000000x64xf32, #tpu.memory_space<hbm>> -> memref<512x64xf32, #tpu.memory_space<hbm>>
    %dma_wait3A_10 = arith.constant 0 : i32
    %dma_wait3A_11 = arith.constant 0 : i32
    %dma_wait3A_12 = tpu.memref_slice %arg3[%dma_wait3A_10, %dma_wait3A_11] : memref<1000000x64xf32, #tpu.memory_space<hbm>> -> memref<512x64xf32, #tpu.memory_space<hbm>>
    tpu.wait_dma2 semaphore(%arg10 : memref<!tpu.dma_semaphore, #tpu.memory_space<semaphore_mem>>) src(%dma_wait3A_12 : memref<512x64xf32, #tpu.memory_space<hbm>>) dst(%arg7 : memref<512x64xf32, #tpu.memory_space<vmem>>)
    %iota3A = tpu.iota {dimensions = array<i32: 0>} : vector<16xi32>
    %get3A = arith.constant 0 : index
    %get3A_13 = tpu.vector_load %arg8[%get3A] {strides = array<i32>} : memref<128xf32, #tpu.memory_space<vmem>>, vector<16xf32>,
    %get3A_14 = arith.constant 16 : index
    %get3A_15 = tpu.vector_load %arg8[%get3A_14] {strides = array<i32>} : memref<128xf32, #tpu.memory_space<vmem>>, vector<16xf32>,
    %get3A_16 = arith.constant 32 : index
    %get3A_17 = tpu.vector_load %arg8[%get3A_16] {strides = array<i32>} : memref<128xf32, #tpu.memory_space<vmem>>, vector<16xf32>,
    %get3A_18 = arith.constant 48 : index
    %get3A_19 = tpu.vector_load %arg8[%get3A_18] {strides = array<i32>} : memref<128xf32, #tpu.memory_space<vmem>>, vector<16xf32>,
    %eq3A = arith.constant 15 : i32
    %eq3A_20 = vector.broadcast %eq3A : i32 to vector<16xi32>
    %eq3A_21 = arith.cmpi eq, %iota3A, %eq3A_20 : vector<16xi32>
    %scan3A_22 = arith.constant 0 : i32
    %scan3A_23 = arith.constant 0 : i32
    %scan3A_24 = arith.constant 512 : i32
    %scan3A_25 = arith.addi %scan3A_23, %scan3A_24 : i32
    %scan3A_26 = arith.constant 1 : i32
    scf.for %scan3A_28 = %scan3A_23 to %scan3A_25 step %scan3A_26  : i32 {
      %broadcast_in_dim3A = arith.constant 0.000000e+00 : f32
      %broadcast_in_dim3A_29 = vector.broadcast %broadcast_in_dim3A : f32 to vector<16xf32>
      %get3A_30 = arith.index_cast %scan3A_28 : i32 to index
      %get3A_31 = arith.constant 0 : index
      %get3A_32 = tpu.vector_load %arg7[%get3A_30, %get3A_31] {strides = array<i32>} : memref<512x64xf32, #tpu.memory_space<vmem>>, vector<16xf32>,
      %mul3A_33 = arith.mulf %get3A_32, %get3A_13 : vector<16xf32>
      %add3A_34 = arith.addf %broadcast_in_dim3A_29, %mul3A_33 : vector<16xf32>
      %get3A_35 = arith.index_cast %scan3A_28 : i32 to index
      %get3A_36 = arith.constant 16 : index
      %get3A_37 = tpu.vector_load %arg7[%get3A_35, %get3A_36] {strides = array<i32>} : memref<512x64xf32, #tpu.memory_space<vmem>>, vector<16xf32>,
      %mul3A_38 = arith.mulf %get3A_37, %get3A_15 : vector<16xf32>
      %add3A_39 = arith.addf %add3A_34, %mul3A_38 : vector<16xf32>
      %get3A_40 = arith.index_cast %scan3A_28 : i32 to index
      %get3A_41 = arith.constant 32 : index
      %get3A_42 = tpu.vector_load %arg7[%get3A_40, %get3A_41] {strides = array<i32>} : memref<512x64xf32, #tpu.memory_space<vmem>>, vector<16xf32>,
      %mul3A_43 = arith.mulf %get3A_42, %get3A_17 : vector<16xf32>
      %add3A_44 = arith.addf %add3A_39, %mul3A_43 : vector<16xf32>
      %get3A_45 = arith.index_cast %scan3A_28 : i32 to index
      %get3A_46 = arith.constant 48 : index
      %get3A_47 = tpu.vector_load %arg7[%get3A_45, %get3A_46] {strides = array<i32>} : memref<512x64xf32, #tpu.memory_space<vmem>>, vector<16xf32>,
      %mul3A_48 = arith.mulf %get3A_47, %get3A_19 : vector<16xf32>
      %add3A_49 = arith.addf %add3A_44, %mul3A_48 : vector<16xf32>
      %broadcast_in_dim3A_50 = arith.constant true
      %broadcast_in_dim3A_51 = vector.broadcast %broadcast_in_dim3A_50 : i1 to vector<16xi1>
      %masked_cumsum3A = tpu.scan <sum>, %add3A_49 masked %broadcast_in_dim3A_51 : vector<16xf32>, vector<16xi1> -> vector<16xf32>
      %broadcast_in_dim3A_52 = vector.broadcast %scan3A_28 : i32 to vector<16xi32>
      tpu.vector_store_idx %arg9[%broadcast_in_dim3A_52], %masked_cumsum3A masked %eq3A_21 : memref<512xf32, #tpu.memory_space<vmem>>[vector<16xi32>], vector<16xf32>, vector<16xi1>
    }
    %scan3A_27 = arith.constant 512 : i32
    "tpu.region"() ({
      %run_scoped3A = tpu.sem_alloc : memref<!tpu.dma_semaphore, #tpu.memory_space<semaphore_mem>>
      %dma_start3A = tpu.memref_slice %arg5[%mul3A_2] : memref<16384xf32, #tpu.memory_space<hbm>> -> memref<512xf32, #tpu.memory_space<hbm>>
      %dma_start3A_28 = tpu.memref_slice %arg5[%mul3A_2] : memref<16384xf32, #tpu.memory_space<hbm>> -> memref<512xf32, #tpu.memory_space<hbm>>
      tpu.enqueue_dma source(%arg9 : memref<512xf32, #tpu.memory_space<vmem>>) target(%dma_start3A_28 : memref<512xf32, #tpu.memory_space<hbm>>) target_semaphore(%run_scoped3A : memref<!tpu.dma_semaphore, #tpu.memory_space<semaphore_mem>>)
      %dma_wait3A_29 = tpu.memref_slice %arg5[%mul3A_2] : memref<16384xf32, #tpu.memory_space<hbm>> -> memref<512xf32, #tpu.memory_space<hbm>>
      %dma_wait3A_30 = tpu.memref_slice %arg5[%mul3A_2] : memref<16384xf32, #tpu.memory_space<hbm>> -> memref<512xf32, #tpu.memory_space<hbm>>
      tpu.wait_dma2 semaphore(%run_scoped3A : memref<!tpu.dma_semaphore, #tpu.memory_space<semaphore_mem>>) src(%arg9 : memref<512xf32, #tpu.memory_space<vmem>>) dst(%dma_wait3A_30 : memref<512xf32, #tpu.memory_space<hbm>>)
      tpu.yield
    }) : () -> ()
    return
  }
}

</mosaic_0001>

<sc_bundles>
// kernel: kernel.3.cloned.1.call-start
scs
__scs_entry_jumppad:
0x0: {  	(pc) =	sbr.rel $0x88, $3  }
0x1: {  	(tag) =	ssettag $0x0;
	lr =	simm.s32 $0x1  }
0x2: {  	[smem:$0x3F9E] =	sst lr;
	_ =	strace $0xD0000000  }
0x3: {  	_ = 	snop  }
0x4: {  	_ = 	snop  }
0x5: {  	_ = 	snop  }
0x6: {  	_ = 	snop  }
0x7: {  	_ = 	snop  }
__scs_overlays_trampoline_lowered:
0x8: {  	[smem:$0x3FAD] =	sst s0  }
0x9: {  	[smem:$0x3FAE] =	sst s1  }
0xa: {  	[smem:$0x3FAF] =	sst s2  }
0xb: {  	[smem:$0x3FB0] =	sst s3  }
0xc: {  	[smem:$0x3FB1] =	sst s4  }
0xd: {  	[smem:$0x3FB2] =	sst s5  }
0xe: {  	[smem:$0x3FB3] =	sst s6  }
0xf: {  	[smem:$0x3FB4] =	sst s7  }
0x10: {  	[smem:$0x3FB5] =	sst s8  }
0x11: {  	[smem:$0x3FB6] =	sst s9;
	s0 =	simm.s32 @!p0 $0x0  }
0x12: {  	s1 =	sld [smem:$0x3F9C];
	s0 =	simm.s32 @p0 $0x1  }
0x13: {  	[smem:$0x3FB7] =	sst s0;
	s0 =	simm.s32 @!p1 $0x0  }
0x14: {  	s2 =	sld [smem:$0x3F9B];
	s0 =	simm.s32 @p1 $0x1  }
0x15: {  	[smem:$0x3FB8] =	sst s0;
	s0 =	simm.s32 @!p2 $0x0  }
0x16: {  	s3 =	sld [smem:$0x3FDB];
	s0 =	simm.s32 @p2 $0x1  }
0x17: {  	s4 =	simm.s32 $0x1BF5;
	[smem:$0x3FBA] =	sst s0  }
0x18: {  	s0 =	sld [smem:$0x3F9D];
	_ =	swait.ge [sflag:s4], $0x0  }
0x19: {  	s7 =	sld [smem:$0x3F9E]  }
0x1a: {  	s8 =	sadd.s32 $0xFFFFE003, lr  }
0x1b: {  	s9 =	sadd.s32 $0xFFFFFEF7, lr;
	s5 =	simm.s32 $0xFFFFFFFF;
	p2 =	slt.u32 s8, $0xFFFFF086  }
0x1c: {  	p1 =	slt.u32 s9, $0xF7A;
	s5 =	simm.s32 @!p2 $0x0  }
0x1d: {  	s5 =	simm.s32 @p1 $0x1;
	p0 =	seq.s32 s7, s2  }
0x1e: {  	s7 =	smul.u32 @!p0 $0xF7A, s2;
	p2 =	seq.s32 @!p0 s5, $0x0  }
0x1f: {  	s9 =	smul.u32 $0xF7A, s1;
	s8 =	simm.s32 @!p0 $0x1BF5;
	p2 =	por !p2, p0  }
0x20: {  	[sflag:s8] =	ssyncset.s32 @!p0 $0xFFFFF086;
	s6 =	sadd.s32 @!p0 s3, s7;
	s7 =	simm.s32 @!p0 $0x108  }
0x21: {  	s3 =	sadd.s32 s3, s9;
	s6 =	sadd.s32 @!p0 $0x88, s6;
	s7 =	simm.s32 @p2 $0x1082  }
0x22: {  	[simem:s7], [sflag:s8] =	dma.local @!p0 [hbm:s6], $0xF7A  }
0x23: {  	s9 =	sor.u32 $0xD0000000, s2;
	s6 =	simm.s32 $0x108;
	_ =	swait.ge @!p0 [sflag:s8], $0x0  }
0x24: {  	s3 =	sadd.s32 $0x88, s3;
	s6 =	simm.s32 @!p1 $0x1082;
	[sflag:s4] =	ssyncset.s32 $0xFFFFF086  }
0x25: {  	[simem:s6], [sflag:s4] =	dma.local [hbm:s3], $0xF7A  }
0x26: {  	[smem:$0x3F9E] =	sst s1;
	(tag) =	ssettag s2;
	_ =	strace s9  }
0x27: {  	s1 =	sld [smem:$0x3FAE]  }
0x28: {  	s2 =	sld [smem:$0x3FAF]  }
0x29: {  	s4 =	sld [smem:$0x3FB1]  }
0x2a: {  	p0 =	seq.s32 s5, $0x0;
	s5 =	sld [smem:$0x3FB2]  }
0x2b: {  	s6 =	sld [smem:$0x3FB3]  }
0x2c: {  	s7 =	sld [smem:$0x3FB4]  }
0x2d: {  	s3 =	simm.s32 $0x108;
	s8 =	sld [smem:$0x3FB5]  }
0x2e: {  	s3 =	simm.s32 @!p0 $0x1082;
	s9 =	sld [smem:$0x3FB6]  }
0x2f: {  	lr =	sadd.s32 s0, s3;
	s0 =	sld [smem:$0x3FAD]  }
0x30: {  	s3 =	sld [smem:$0x3FB0]  }
0x31: {  	[smem:$0x3FB9] =	sst s10  }
0x32: {  	s10 =	sld [smem:$0x3FB7];
	_ =	sdelay $0x3  }
0x33: {  	p0 =	seq.s32 s10, $0x1;
	s10 =	sld [smem:$0x3FB9];
	_ =	sdelay $0x3  }
0x34: {  	[smem:$0x3FB9] =	sst s10  }
0x35: {  	s10 =	sld [smem:$0x3FB8];
	_ =	sdelay $0x3  }
0x36: {  	p1 =	seq.s32 s10, $0x1;
	s10 =	sld [smem:$0x3FB9];
	_ =	sdelay $0x3  }
0x37: {  	[smem:$0x3FB9] =	sst s10  }
0x38: {  	s10 =	sld [smem:$0x3FBA]  }
0x39: {  	_ = 	snop;
	(pc) =	sbr.ind lr, $3  }
0x3a: {  	_ = 	snop  }
0x3b: {  	_ = 	snop  }
0x3c: {  	p2 =	seq.s32 s10, $0x1;
	s10 =	sld [smem:$0x3FB9]  }
0x3d: {  	_ =	shalt  }
0x3e: {  	_ =	shalt  }
0x3f: {  	_ =	shalt  }
0x40: {  	_ =	shalt  }
0x41: {  	_ =	shalt  }
0x42: {  	_ =	shalt  }
0x43: {  	_ =	shalt  }
0x44: {  	_ =	shalt  }
0x45: {  	_ =	shalt  }
0x46: {  	_ =	shalt  }
0x47: {  	_ =	shalt  }
0x48: {  	_ =	shalt  }
0x49: {  	_ =	shalt  }
0x4a: {  	_ =	shalt  }
0x4b: {  	_ =	shalt  }
0x4c: {  	_ =	shalt  }
0x4d: {  	_ =	shalt  }
0x4e: {  	_ =	shalt  }
0x4f: {  	_ =	shalt  }
0x50: {  	_ =	shalt  }
0x51: {  	_ =	shalt  }
0x52: {  	_ =	shalt  }
0x53: {  	_ =	shalt  }
0x54: {  	_ =	shalt  }
0x55: {  	_ =	shalt  }
0x56: {  	_ =	shalt  }
0x57: {  	_ =	shalt  }
0x58: {  	_ =	shalt  }
0x59: {  	_ =	shalt  }
0x5a: {  	_ =	shalt  }
0x5b: {  	_ =	shalt  }
0x5c: {  	_ =	shalt  }
0x5d: {  	_ =	shalt  }
0x5e: {  	_ =	shalt  }
0x5f: {  	_ =	shalt  }
0x60: {  	_ =	shalt  }
0x61: {  	_ =	shalt  }
0x62: {  	_ =	shalt  }
0x63: {  	_ =	shalt  }
0x64: {  	_ =	shalt  }
0x65: {  	_ =	shalt  }
0x66: {  	_ =	shalt  }
0x67: {  	_ =	shalt  }
0x68: {  	_ =	shalt  }
0x69: {  	_ =	shalt  }
0x6a: {  	_ =	shalt  }
0x6b: {  	_ =	shalt  }
0x6c: {  	_ =	shalt  }
0x6d: {  	_ =	shalt  }
0x6e: {  	_ =	shalt  }
0x6f: {  	_ =	shalt  }
0x70: {  	_ =	shalt  }
0x71: {  	_ =	shalt  }
0x72: {  	_ =	shalt  }
0x73: {  	_ =	shalt  }
0x74: {  	_ =	shalt  }
0x75: {  	_ =	shalt  }
0x76: {  	_ =	shalt  }
0x77: {  	_ =	shalt  }
0x78: {  	_ =	shalt  }
0x79: {  	_ =	shalt  }
0x7a: {  	_ =	shalt  }
0x7b: {  	_ =	shalt  }
0x7c: {  	_ =	shalt  }
0x7d: {  	_ =	shalt  }
0x7e: {  	_ =	shalt  }
0x7f: {  	_ =	shalt  }
0x80: {  	_ =	shalt  }
0x81: {  	_ =	shalt  }
0x82: {  	_ =	shalt  }
0x83: {  	_ =	shalt  }
0x84: {  	_ =	shalt  }
0x85: {  	_ =	shalt  }
0x86: {  	_ =	shalt  }
0x87: {  	_ =	shalt  }
.Lfunc_end0:
.L_simem_size_0:
called_computation_lowered:
.L_overlay_start_0:
0x88: {  	s2 =	sld [smem:$0x3FD9]  }
0x89: {  	s3 =	sld [smem:$0x3FFE];
	_ =	sdelay $0x1  }
0x8a: {  	s1 =	srdreg.scid  }
0x8b: {  	s0 =	sand.u32 $0x1, s1  }
0x8c: {  	s17 =	sshll.u32 s0, $0xA;
	s2 =	sadd.s32 s3, s2  }
0x8d: {  	s2 =	sadd.s32 s2, s17  }
0x8e: {  	[smem:$0x3FC5] =	sst s2  }
0x8f: {  	_ = 	snop  }
0x90: {  	s2 =	sld [smem:$0x3FC9]  }
0x91: {  	s18 =	sld [smem:$0x3FD0];
	(tm) =	ssettm $0x1  }
0x92: {  	s4 =	sld [smem:$0x3FFB];
	_ =	sdelay $0x3  }
0x93: {  	_ =	strace s4  }
0x94: {  	s4 =	sld [smem:$0x3FFC];
	_ =	sdelay $0x3  }
0x95: {  	_ =	strace s4  }
0x96: {  	s4 =	sld [smem:$0x3FFD];
	_ =	sdelay $0x3  }
0x97: {  	_ =	strace s4  }
0x98: {  	_ =	strace $0x8FFFFFFF  }
0x99: {  	s19 =	sld [smem:$0x3FDB];
	_ =	sdelay $0x1  }
0x9a: {  	s5 =	simm.s32 $_scs_section_size  }
0x9b: {  	s6 =	simm.s32 $_size__tile_overlayer_lowered;
	s7 =	simm.s32 $_tile_overlayer_lowered  }
0x9c: {  	s22 =	simm.s32 $0x1BFF;
	s21 =	sshll.u32 s7, $0x1;
	s4 =	sadd.s32 s5, s19  }
0x9d: {  	s8 =	simm.s32 $0x0;
	s20 =	sshll.u32 s6, $0x1;
	s6 =	sadd.s32 s21, s4  }
0x9e: {  	[timem:s8], [sflag:s22] =	dma.local [hbm:s6], s20  }
0x9f: {  	_ =	swait.ge [sflag:s22], s20  }
0xa0: {  	s5 =	ssub.s32 $0x0, s20;
	[sflag:s22] =	ssyncset.done $0x0  }
0xa1: {  	[sflag:s22] =	ssyncadd.s32 s5;
	_ =	sdelay $0x1  }
0xa2: {  	s23 =	simm.s32 $0x1B8B  }
0xa3: {  	_ =	swait.ge [sflag:s23], $0x1  }
0xa4: {  	[sflag:s23] =	ssyncset.done $0x0  }
0xa5: {  	s25 =	simm.s32 $0x1B8E;
	s24 =	sld [smem:$0x3FFE];
	[sflag:s23] =	ssyncadd.s32 $0xFFFFFFFF  }
0xa6: {  	s26 =	simm.s32 $execute0_lowered;
	[smem:$0x3FD2] =	sst s25  }
0xa7: {  	s6 =	sshll.u32 s26, $0x1;
	_ =	strace $0x80000046;
	[dreg:$0x1] =	wrdreg $0xFFFFFFFF  }
0xa8: {  	s28 =	simm.s32 $_size_execute0_lowered;
	s4 =	sadd.s32 s4, s6;
	[dreg:$0x0] =	wrdreg $0x0  }
0xa9: {  	s6 =	sshll.u32 s28, $0x1;
	[dreg:$0x2] =	wrdreg s4  }
0xaa: {  	[dreg:$0x3] =	wrdreg s6  }
0xab: {  	[dreg:$0x4] =	wrdreg $0xC0  }
0xac: {  	_ =	task [dreg:s8], $0x5FFFF  }
0xad: {  	[dreg:$0x1] =	wrdreg $0xFFFFFFFF  }
0xae: {  	[dreg:$0x0] =	wrdreg $0x60  }
0xaf: {  	[dreg:$0x2] =	wrdreg s2  }
0xb0: {  	[dreg:$0x3] =	wrdreg s24  }
0xb1: {  	[dreg:$0x4] =	wrdreg s18  }
0xb2: {  	[dreg:$0x5] =	wrdreg $0x9  }
0xb3: {  	_ =	task.clear_ibuf [dreg:s8], $0x6FFFF;
	_ =	strace $0x90000046  }
0xb4: {  	s29 =	simm.s32 $0x9;
	_ =	strace $0x80000048  }
0xb5: {  	_ =	swait.ge [sflag:s29], $0x1  }
0xb6: {  	[sflag:s29] =	ssyncadd.s32 $0xFFFFFFFF  }
0xb7: {  	_ =	strace $0x90000048  }
0xb8: {  	_ =	sfence  }
0xb9: {  	s30 =	sld [smem:$0x0];
	_ =	sdelay $0x2  }
0xba: {  	s31 =	sshll.u32 s1, $0xD;
	s1 =	sshrl.u32 s1, $0x2  }
0xbb: {  	s3 =	sand.u32 $0x4000, s31;
	s1 =	sadd.s32 s1, s30  }
0xbc: {  	s0 =	sor.u32 s3, s0;
	s1 =	sshll.u32 s1, $0x11  }
0xbd: {  	s0 =	sor.u32 s1, s0  }
0xbe: {  	s0 =	sadd.s32 $0x8F2B, s0  }
0xbf: {  	[sflag:s0] =	ssyncadd.remote.s32 $0x1  }
0xc0: {  	_ =	sfence.sel $0xFFFF  }
0xc1: {  	[dreg:$0x0] =	wrdreg $0xFFFFFFFF;
	(pc) =	sbr.abs _section_cstart, $3  }
0xc2: {  	[dreg:$0x1] =	wrdreg $0xFFFFFFFF  }
0xc3: {  	_ =	task.clear_ibuf [dreg:s8], $0x2FFFF;
	_ =	strace $0x9FFFFFFF  }
0xc4: {  	(tm) =	ssettm $0x7FFFFFFF  }
0xc5: {  	_ =	shalt  }
tec
execute0_lowered:
.L_overlay_start_1:
0x0: {  	(tag) =	ssettag $0x1  }
0x1: {  	s5 =	rddreg [dreg:$0x0]  }
0x2: {  	s4 =	rddreg [dreg:$0x1]  }
0x3: {  	s6 =	rddreg [dreg:$0x2]  }
0x4: {  	s0 =	rddreg [dreg:$0x3];
	s1 =	simm.s32 $0x0  }
0x5: {  	s7 =	srdreg.scid;
	s2 =	stileid.u32;
	s11 =	simm.s32 $0x10280  }
0x6: {  	s12 =	simm.s32 $0x0;
	[smem:$0x7FF] =	sst s1;
	s3 =	sadd.s32 $0x600, s4  }
0x7: {  	s7 =	sand.u32 $0x1, s7;
	s9 =	sshll.u32 s2, $0x7;
	s4 =	sadd.s32 $0xF42A00, s4  }
0x8: {  	_ =	strace $0x80000047;
	s8 =	ssub.s32 $0x2, s7;
	s7 =	sshll.u32 s7, $0x6  }
0x9: {  	s10 =	sshrl.u32 s8, $0x1;
	s7 =	sor.u32 s7, s9;
	s9 =	simm.s32 $0x10200  }
0xa: {  	s8 =	ssub.s32 s8, s10;
	s5 =	sadd.s32 s5, s7;
	s6 =	sadd.s32 s6, s7  }
0xb: {  	vm0 =	vcmask $0x3F3C;
	s10 =	simm.s32 $0x1;
	s7 =	smax.u32 s8, $0x1;
	s8 =	simm.s32 $0x2  }
.LBB2_1:
0xc: {  	[tilespmem:s1], [sflag:$0x2] =	stream.linear.gather [hbm4b:s5+s1], $0x200, $0x38;
	[tilespmem:$0x10480] =	vst v63  }
0xd: {  	_ =	swait.ge [sflag:s8], $0x200  }
0xe: {  	[sflag:s8] =	ssyncset.done $0x0  }
0xf: {  	v0 =	vmov s1;
	[sflag:s8] =	ssyncadd.s32 $0xFFFFFE00  }
0x10: {  	[tilespmem:s9], [sflag:$0x2] =	stream.linear.gather [hbm4b:s4+s1], $0x80, $0x38;
	[tilespmem:$0x10480] =	vst v63  }
0x11: {  	_ =	swait.ge [sflag:s8], $0x80  }
0x12: {  	[sflag:s8] =	ssyncset.done $0x0  }
0x13: {  	[sflag:s8] =	ssyncadd.s32 $0xFFFFFF80  }
0x14: {  	v0 =	vld.idx.msk [tilespmem:v0+s1+$0x0], $0xffff;
	_ =	sdelay $0x4  }
0x15: {  	v0 =	vxor.u32 $0x80000000, v0  }
0x16: {  	(xrf0) =	vmax.scan.msk.u32 $0xffff, v0;
	_ =	sdelay $0x5  }
0x17: {  	v0, _, _ =	vpop (xrf0)  }
0x18: {  	(v2sf) =	vpush v0, $0xF;
	_ =	sdelay $0xd  }
0x19: {  	s13 =	simm.s32 $0x1  }
0x1a: {  	v0 =	vmov s13;
	s30 =	spop (v2sf)  }
0x1b: {  	s13 =	sshll.u32 s30, $0x4  }
0x1c: {  	s14 =	sand.u32 $0x1FFFFFF0, s13  }
0x1d: {  	s13 =	simm.s32 $0x200;
	s14 =	sadd.s32 s3, s14  }
0x1e: {  	[tilespmem:s13], [sflag:$0x1] =	stream.linear.gather [hbm4b:s14+s1], $0x80, $0x38;
	[tilespmem:$0x10480] =	vst v63  }
0x1f: {  	v0 =	vld.idx.msk [tilespmem:v0+s1+$0x0], $0xffff;
	_ =	sdelay $0x4  }
0x20: {  	v0 =	vxor.u32 $0x80000000, v0  }
0x21: {  	(xrf0) =	vmax.scan.msk.u32 $0xffff, v0;
	_ =	sdelay $0x5  }
0x22: {  	v0, _, _ =	vpop (xrf0)  }
0x23: {  	(v2sf) =	vpush v0, $0xF;
	_ =	sdelay $0xd  }
0x24: {  	s31 =	simm.s32 $0x2  }
0x25: {  	s14 =	simm.s32 $0x3;
	v0 =	vmov s31;
	s15 =	spop (v2sf)  }
.LBB2_2:
0x26: {  	p0 =	sne.s32 s14, $0x1FF;
	s15 =	sshll.u32 s15, $0x4  }
0x27: {  	s15 =	sand.u32 $0x1FFFFFF0, s15  }
0x28: {  	s13 =	sadd.s32 $0x80, s13;
	s15 =	sadd.s32 s3, s15  }
0x29: {  	[tilespmem:s13], [sflag:$0x1] =	stream.linear.gather [hbm4b:s15+s1], $0x80, $0x38;
	[tilespmem:$0x10480] =	vst v63  }
0x2a: {  	v0 =	vld.idx.msk [tilespmem:v0+s1+$0x0], $0xffff;
	_ =	sdelay $0x5  }
0x2b: {  	v0 =	vxor.u32 $0x80000000, v0  }
0x2c: {  	(xrf0) =	vmax.scan.msk.u32 $0xffff, v0;
	_ =	sdelay $0x5  }
0x2d: {  	v0, _, _ =	vpop (xrf0)  }
0x2e: {  	(v2sf) =	vpush v0, $0xF;
	_ =	sdelay $0xa  }
.Ltmp0:
0x2f: {  	(pc) =	sbr.rel @p0 .LBB2_2-.Ltmp0, $2  }
0x30: {  	_ =	sdelay $0x2  }
0x31: {  	v0 =	vmov s14;
	s14 =	sadd.s32 $0x1, s14;
	s15 =	spop (v2sf)  }
0x32: {  	s14 =	sshll.u32 s15, $0x4  }
0x33: {  	s14 =	sand.u32 $0x1FFFFFF0, s14  }
0x34: {  	s13 =	sadd.s32 $0x80, s13;
	s14 =	sadd.s32 s3, s14  }
0x35: {  	[tilespmem:s13], [sflag:$0x1] =	stream.linear.gather [hbm4b:s14+s1], $0x80, $0x38;
	[tilespmem:$0x10480] =	vst v63  }
0x36: {  	v0 =	vld.idx.msk [tilespmem:v0+s1+$0x0], $0xffff;
	_ =	sdelay $0x4  }
0x37: {  	v0 =	vxor.u32 $0x80000000, v0  }
0x38: {  	(xrf0) =	vmax.scan.msk.u32 $0xffff, v0;
	_ =	sdelay $0x5  }
0x39: {  	v0, _, _ =	vpop (xrf0)  }
0x3a: {  	(v2sf) =	vpush v0, $0xF;
	_ =	sdelay $0xe  }
0x3b: {  	s31 =	spop (v2sf)  }
0x3c: {  	s14 =	sshll.u32 s31, $0x4  }
0x3d: {  	s14 =	sand.u32 $0x1FFFFFF0, s14  }
0x3e: {  	s13 =	sadd.s32 $0x80, s13;
	s14 =	sadd.s32 s3, s14  }
0x3f: {  	[tilespmem:s13], [sflag:$0x1] =	stream.linear.gather [hbm4b:s14+s1], $0x80, $0x38;
	[tilespmem:$0x10480] =	vst v63  }
0x40: {  	_ =	swait.ge [sflag:s10], $0x10000  }
0x41: {  	[sflag:s10] =	ssyncset.done $0x0  }
0x42: {  	[sflag:s10] =	ssyncadd.s32 $0xFFFF0000  }
0x43: {  	v3 =	vld [tilespmem:$0x10200]  }
0x44: {  	v2 =	vld [tilespmem:$0x10210]  }
0x45: {  	v0 =	vld [tilespmem:$0x10220]  }
0x46: {  	s14 =	simm.s32 $0x220;
	v1 =	vld [tilespmem:$0x10230]  }
0x47: {  	s15 =	simm.s32 $0x1;
	s13 =	simm.s32 $0x0;
	v4 =	vld [tilespmem:s14+$0xFFFFFFE0]  }
.LBB2_4:
0x48: {  	p0 =	sne.s32 s15, $0x1FF  }
0x49: {  	v5 =	vld [tilespmem:s14+$0xFFFFFFF0];
	_ =	sdelay $0x1  }
0x4a: {  	v6 =	vld [tilespmem:s14+$0x0]  }
0x4b: {  	v4 =	vmul.f32 v4, v3  }
0x4c: {  	v7 =	vld [tilespmem:s14+$0x10]  }
0x4d: {  	v4 =	vadd.f32 $0.0e+00, v4;
	v5 =	vmul.f32 v5, v2;
	_ =	sdelay $0x1  }
0x4e: {  	v4 =	vadd.f32 v5, v4;
	v5 =	vmul.f32 v6, v0;
	_ =	sdelay $0x1  }
0x4f: {  	v4 =	vadd.f32 v5, v4;
	v5 =	vmul.f32 v7, v1;
	_ =	sdelay $0x1  }
0x50: {  	v4 =	vadd.f32 v5, v4;
	_ =	sdelay $0x1  }
0x51: {  	(xrf2) =	vadd.scan.msk.f32 $0xffff, v4;
	_ =	sdelay $0x5  }
0x52: {  	v4 =	vmov s13;
	s13 =	smov.u32 s15;
	_ =	sdelay $0x1  }
.Ltmp1:
0x53: {  	(pc) =	sbr.rel @p0 .LBB2_4-.Ltmp1, $4  }
0x54: {  	_ = 	snop  }
0x55: {  	v5, _, _ =	vpop (xrf2)  }
0x56: {  	s14 =	sadd.s32 $0x80, s14;
	[tilespmem:v4+s11+$0x0] =	vst.idx.msk vm0, v5  }
0x57: {  	s15 =	sadd.s32 $0x1, s15;
	v4 =	vld [tilespmem:s14+$0xFFFFFFE0]  }
0x58: {  	_ = 	snop  }
0x59: {  	v5 =	vld [tilespmem:s14+$0xFFFFFFF0];
	_ =	sdelay $0x1  }
0x5a: {  	v6 =	vld [tilespmem:s14+$0x0]  }
0x5b: {  	v3 =	vmul.f32 v4, v3  }
0x5c: {  	v61 =	vld [tilespmem:s14+$0x10]  }
0x5d: {  	v2 =	vmul.f32 v5, v2;
	v3 =	vadd.f32 $0.0e+00, v3;
	_ =	sdelay $0x1  }
0x5e: {  	v0 =	vmul.f32 v6, v0;
	v2 =	vadd.f32 v2, v3;
	_ =	sdelay $0x1  }
0x5f: {  	v1 =	vmul.f32 v61, v1;
	v0 =	vadd.f32 v0, v2;
	_ =	sdelay $0x1  }
0x60: {  	v0 =	vadd.f32 v1, v0;
	_ =	sdelay $0x1  }
0x61: {  	(xrf2) =	vadd.scan.msk.f32 $0xffff, v0;
	_ =	sdelay $0x5  }
0x62: {  	v62 =	vmov s13;
	_ =	sdelay $0x2  }
0x63: {  	s12 =	sadd.s32 $0x1, s12  }
0x64: {  	p0 =	sne.s32 s12, s7;
	v63, _, _ =	vpop (xrf2)  }
.Ltmp2:
0x65: {  	[tilespmem:v62+s11+$0x0] =	vst.idx.msk vm0, v63;
	(pc) =	sbr.rel @p0 .LBB2_1-.Ltmp2, $4  }
0x66: {  	[hbm4b:s6+s1] =	stream.linear.scatter [tilespmem:s11], [sflag:$0x2], $0x200, $0x38;
	[tilespmem:$0x10480] =	vst v63  }
0x67: {  	_ =	swait.ge [sflag:s8], $0x200  }
0x68: {  	[sflag:s8] =	ssyncset.done $0x0  }
0x69: {  	[sflag:s8] =	ssyncadd.s32 $0xFFFFFE00  }
0x6a: {  	_ =	sfence.sel $0x180000  }
0x6b: {  	[bflag:$0x0] =	sbarrier.arrive $0xFFFF  }
0x6c: {  	p0 =	sne.s32 s2, $0x0;
	_ =	strace $0x90000047  }
0x6d: {  	s0 =	sadd.s32 @!p0 $0x100000, s0;
	[bflag:$0x2] =	sbarrier.arrive $0xFFFF  }
0x6e: {  	[sflag:s0] =	ssyncadd.tile.s32 @!p0 $0x1;
	_ =	shalt  }
.Lfunc_end2:
_tile_overlayer_lowered:
.L_overlay_start_2:
0x6f: {  	(tag) =	ssettag $0x2  }
0x70: {  	s0 =	rddreg [dreg:$0x0];
	s2 =	stileid.u32  }
0x71: {  	s1 =	rddreg [dreg:$0x1];
	p0 =	sne.s32 s2, $0x0  }
0x72: {  	s3 =	rddreg [dreg:$0x2];
	[bflag:$0x3] =	sbarrier.arrive $0xFFFF;
	s2 =	simm.s32 @!p0 $0x1C02  }
0x73: {  	[timem:s3], [sflag:s2] =	dma.local @!p0 [hbm:s0], s1  }
0x74: {  	s0 =	simm.s32 @!p0 $0x2  }
0x75: {  	_ =	swait.ge @!p0 [sflag:s0], s1  }
0x76: {  	s1 =	ssub.s32 @!p0 $0x0, s1;
	[sflag:s0] =	ssyncset.done @!p0 $0x0  }
0x77: {  	[sflag:s0] =	ssyncadd.s32 @!p0 s1  }
0x78: {  	[bflag:$0x3] =	sbarrier.arrive $0xFFFF  }
0x79: {  	_ =	shalt  }

</sc_bundles>
